<compile_context>
chip_gen: v7x
topology: tpu7x:2x2x1
jax: 0.10.2.dev20260603
libtpu: 0.0.44.dev20260713+nightly
codegen_flags: <defaults>
</compile_context>

<pallas_src>
import functools

import jax
import jax.numpy as jnp
from jax.experimental import pallas as pl
from jax.experimental.pallas import tpu as pltpu

_B, _D, _C, _K, _L = 64, 2048, 345, 40, 9


def _head_body(f_ref, W_ref, b_ref, lab_ref, ptr_ref,
               logits_ref, z_ref, tgt_ref, nptr_ref):
    f = f_ref[...]
    W = W_ref[...]
    logits = jnp.dot(f, W, preferred_element_type=jnp.float32) + b_ref[...]
    logits_ref[...] = logits
    norm = jnp.sqrt(jnp.sum(logits * logits, axis=1, keepdims=True))
    z_ref[...] = logits / (norm + 1e-12)

    lab = lab_ref[...]
    ptr = ptr_ref[...]
    lab_i = lab.reshape(_B, 1)
    same = lab_i == lab
    rows = jax.lax.broadcasted_iota(jnp.int32, (_B, _B), 0)
    cols = jax.lax.broadcasted_iota(jnp.int32, (_B, _B), 1)
    occ = jnp.sum(jnp.where(same & (cols < rows), 1, 0), axis=1,
                  dtype=jnp.int32).reshape(1, _B)
    cids = jax.lax.broadcasted_iota(jnp.int32, (_B, _C), 1)
    onehot_lab = lab_i == cids
    ptr_g = jnp.sum(jnp.where(onehot_lab, ptr, 0), axis=1,
                    dtype=jnp.int32).reshape(1, _B)
    pos = jax.lax.rem(ptr_g + occ, _K)
    tgt_ref[...] = lab * _K + pos
    counts = jnp.sum(jnp.where(onehot_lab, 1, 0), axis=0,
                     dtype=jnp.int32).reshape(1, _C)
    nptr_ref[...] = jax.lax.rem(ptr + counts, _K)


def _qz_body(qz_ref, z_ref, tgt_ref, out_ref, *, lpb):
    j = pl.program_id(0)
    tgt = tgt_ref[...].reshape(_B, 1)
    slots = jax.lax.broadcasted_iota(jnp.int32, (_B, lpb), 1) + j * lpb
    onehot = (tgt == slots).astype(jnp.float32)
    val = jax.lax.dot_general(
        z_ref[...], onehot, (((0,), (0,)), ((), ())),
        preferred_element_type=jnp.float32)
    written = jnp.max(onehot, axis=0, keepdims=True) > 0.5
    out_ref[...] = jnp.where(written, val, qz_ref[...])


def _qh_body(qh_ref, h_ref, tgt_ref, out_ref, *, rb):
    j = pl.program_id(0)
    tgt = tgt_ref[...].reshape(_B, 1)
    rows = jax.lax.broadcasted_iota(jnp.int32, (_B, rb), 1) + j * rb
    onehot = (tgt == rows).astype(jnp.float32)
    val = jax.lax.dot_general(
        onehot, h_ref[...], (((0,), (0,)), ((), ())),
        preferred_element_type=jnp.float32)
    written = jnp.max(onehot, axis=0).reshape(rb, 1) > 0.5
    out_ref[...] = jnp.where(written, val, qh_ref[...])


def kernel(f, labels, h, queue_z, queue_h, queue_ptr, W, b):
    B, D, C, K, L = _B, _D, _C, _K, _L
    lab2 = labels.reshape(1, B)
    ptr2 = queue_ptr.reshape(1, C)
    b2 = b.reshape(1, C)

    logits, z, tgt, nptr = pl.pallas_call(
        _head_body,
        out_shape=(
            jax.ShapeDtypeStruct((B, C), jnp.float32),
            jax.ShapeDtypeStruct((B, C), jnp.float32),
            jax.ShapeDtypeStruct((1, B), jnp.int32),
            jax.ShapeDtypeStruct((1, C), jnp.int32),
        ),
    )(f, W, b2, lab2, ptr2)

    LPB = 1280
    qz2 = queue_z.reshape(C, C * K)
    new_qz = pl.pallas_call(
        functools.partial(_qz_body, lpb=LPB),
        grid=(pl.cdiv(C * K, LPB),),
        in_specs=[
            pl.BlockSpec((C, LPB), lambda i: (0, i)),
            pl.BlockSpec((B, C), lambda i: (0, 0)),
            pl.BlockSpec((1, B), lambda i: (0, 0)),
        ],
        out_specs=pl.BlockSpec((C, LPB), lambda i: (0, i)),
        out_shape=jax.ShapeDtypeStruct((C, C * K), jnp.float32),
    )(qz2, z, tgt).reshape(C, C, K)

    RB = 200
    qh2 = queue_h.reshape(C * K, L * C)
    h2 = h.reshape(B, L * C)
    new_qh = pl.pallas_call(
        functools.partial(_qh_body, rb=RB),
        grid=(C * K // RB,),
        in_specs=[
            pl.BlockSpec((RB, L * C), lambda i: (i, 0)),
            pl.BlockSpec((B, L * C), lambda i: (0, 0)),
            pl.BlockSpec((1, B), lambda i: (0, 0)),
        ],
        out_specs=pl.BlockSpec((RB, L * C), lambda i: (i, 0)),
        out_shape=jax.ShapeDtypeStruct((C * K, L * C), jnp.float32),
    )(qh2, h2, tgt).reshape(C, K, L, C)

    return (logits, new_qz, new_qh, nptr.reshape(C))

# --- scband reference (transcript-rebuilt; emitter-appended) ---
"""Pipeline reference for scband-contuning-7799660609866 (READ-ONLY COPY).

The authoritative reference and input builder live on the scoring server;
editing this copy changes nothing except your own understanding.
"""

import jax, jax.numpy as jnp
import numpy as np

def _normalize(x, axis, eps=1e-12):
    return x / (jnp.linalg.norm(x, axis=axis, keepdims=True) + eps)

def setup_inputs(seed: int = 0):
    key = jax.random.key(seed)
    ks = jax.random.split(key, 8)
    B, D, C, K, L = 64, 2048, 345, 40, 9
    f = jax.random.normal(ks[0], (B, D), dtype=jnp.float32)
    labels = jax.random.randint(ks[1], (B,), 0, C, dtype=jnp.int32)
    h = _normalize(jax.random.normal(ks[2], (B, L, C), dtype=jnp.float32), axis=-1)
    queue_z = _normalize(jax.random.normal(ks[3], (C, C, K), dtype=jnp.float32), axis=0)
    queue_h = _normalize(jax.random.normal(ks[4], (C, K, L, C), dtype=jnp.float32), axis=-1)
    queue_ptr = jnp.zeros((C,), dtype=jnp.int32)
    W = 0.01 * jax.random.normal(ks[5], (D, C), dtype=jnp.float32)
    b = jnp.zeros((C,), dtype=jnp.float32)
    return {"f": f, "labels": labels, "h": h, "queue_z": queue_z, "queue_h": queue_h, "queue_ptr": queue_ptr, "W": W, "b": b}

def reference(f, labels, h, queue_z, queue_h, queue_ptr, W, b):
    # head: y = f @ W + b  (Classifier head, weight ~ N(0, 0.01))
    K = queue_z.shape[-1]
    B = f.shape[0]
    logits = f @ W + b
    z = _normalize(logits, axis=1)
    # _dequeue_and_enqueue: per-label circular queue scatter-overwrite.
    # occurrence rank of each sample among same-label samples earlier in the batch
    same = labels[None, :] == labels[:, None]
    tri = jnp.tril(jnp.ones((B, B), dtype=bool), k=-1)
    occ = jnp.sum(same & tri, axis=1).astype(jnp.int32)
    pos = (queue_ptr[labels] + occ) % K
    # queue_z[:, label, ptr:ptr+bs] = z.T  -> scatter-overwrite
    new_queue_z = queue_z.at[:, labels, pos].set(z.T)
    # queue_h[label, ptr:ptr+bs, :, :] = h -> scatter-overwrite
    new_queue_h = queue_h.at[labels, pos].set(h)
    counts = jnp.bincount(labels, length=queue_ptr.shape[0]).astype(jnp.int32)
    new_queue_ptr = (queue_ptr + counts) % K
    return (logits, new_queue_z, new_queue_h, new_queue_ptr)

if __name__ == "__main__":
    import jax
    _d = setup_inputs()
    print(jax.jit(kernel)(*tuple(_d.values())))

</pallas_src>

<mosaic_0001>
module attributes {stable_mosaic.version = 14 : i64} {
  func.func @_head_body(%arg0: memref<64x2048xf32, #tpu.memory_space<vmem>>, %arg1: memref<2048x345xf32, #tpu.memory_space<vmem>>, %arg2: memref<1x345xf32, #tpu.memory_space<vmem>>, %arg3: memref<1x64xi32, #tpu.memory_space<vmem>>, %arg4: memref<1x345xi32, #tpu.memory_space<vmem>>, %arg5: memref<64x345xf32, #tpu.memory_space<vmem>>, %arg6: memref<64x345xf32, #tpu.memory_space<vmem>>, %arg7: memref<1x64xi32, #tpu.memory_space<vmem>>, %arg8: memref<1x345xi32, #tpu.memory_space<vmem>>) attributes {dimension_semantics = [], scalar_prefetch = 0 : i64, scratch_operands = 0 : i64, tpu.core_type = #tpu.core_type<tc>} {
    %get3A = arith.constant 0 : index
    %get3A_0 = arith.constant 0 : index
    %get3A_1 = vector.load %arg0[%get3A, %get3A_0] : memref<64x2048xf32, #tpu.memory_space<vmem>>, vector<64x2048xf32>
    %get3A_2 = arith.constant 0 : index
    %get3A_3 = arith.constant 0 : index
    %get3A_4 = vector.load %arg1[%get3A_2, %get3A_3] : memref<2048x345xf32, #tpu.memory_space<vmem>>, vector<2048x345xf32>
    %dot_general3A = arith.constant dense<0.000000e+00> : vector<64x345xf32>
    %dot_general3A_5 = tpu.matmul %get3A_1, %get3A_4, %dot_general3A {dimension_numbers = #tpu.dot_dimension_numbers<[1], [0], [0], [1], [0, 0, 1, 1], [], []>, transpose_lhs_hint = false} : vector<64x2048xf32>, vector<2048x345xf32>, vector<64x345xf32> -> vector<64x345xf32>
    %get3A_6 = arith.constant 0 : index
    %get3A_7 = arith.constant 0 : index
    %get3A_8 = vector.load %arg2[%get3A_6, %get3A_7] : memref<1x345xf32, #tpu.memory_space<vmem>>, vector<1x345xf32>
    %add3A = vector.broadcast %get3A_8 : vector<1x345xf32> to vector<64x345xf32>
    %add3A_9 = arith.addf %dot_general3A_5, %add3A : vector<64x345xf32>
    %swap3A = arith.constant 0 : index
    %swap3A_10 = arith.constant 0 : index
    %swap3A_11 = vector.load %arg5[%swap3A, %swap3A_10] : memref<64x345xf32, #tpu.memory_space<vmem>>, vector<64x345xf32>
    tpu.vector_store %arg5[%swap3A, %swap3A_10], %add3A_9 {strides = array<i32>} : memref<64x345xf32, #tpu.memory_space<vmem>>, vector<64x345xf32>,
    %mul3A = arith.mulf %add3A_9, %add3A_9 : vector<64x345xf32>
    %reduce_sum3A = arith.constant dense<0.000000e+00> : vector<64xf32>
    %reduce_sum3A_12 = vector.multi_reduction <add>, %mul3A, %reduce_sum3A [1] : vector<64x345xf32> to vector<64xf32>
    %broadcast_in_dim3A = vector.shape_cast %reduce_sum3A_12 : vector<64xf32> to vector<64x1xf32>
    %sqrt3A = math.sqrt %broadcast_in_dim3A : vector<64x1xf32>
    %add3A_13 = arith.constant 9.99999996E-13 : f32
    %add3A_14 = vector.broadcast %add3A_13 : f32 to vector<64x1xf32>
    %add3A_15 = arith.addf %sqrt3A, %add3A_14 : vector<64x1xf32>
    %div3A = vector.broadcast %add3A_15 : vector<64x1xf32> to vector<64x345xf32>
    %div3A_16 = arith.divf %add3A_9, %div3A : vector<64x345xf32>
    %swap3A_17 = arith.constant 0 : index
    %swap3A_18 = arith.constant 0 : index
    %swap3A_19 = vector.load %arg6[%swap3A_17, %swap3A_18] : memref<64x345xf32, #tpu.memory_space<vmem>>, vector<64x345xf32>
    tpu.vector_store %arg6[%swap3A_17, %swap3A_18], %div3A_16 {strides = array<i32>} : memref<64x345xf32, #tpu.memory_space<vmem>>, vector<64x345xf32>,
    %get3A_20 = arith.constant 0 : index
    %get3A_21 = arith.constant 0 : index
    %get3A_22 = vector.load %arg3[%get3A_20, %get3A_21] : memref<1x64xi32, #tpu.memory_space<vmem>>, vector<1x64xi32>
    %get3A_23 = arith.constant 0 : index
    %get3A_24 = arith.constant 0 : index
    %get3A_25 = vector.load %arg4[%get3A_23, %get3A_24] : memref<1x345xi32, #tpu.memory_space<vmem>>, vector<1x345xi32>
    %reshape3A = vector.shape_cast %get3A_22 : vector<1x64xi32> to vector<64x1xi32>
    %eq3A = vector.broadcast %reshape3A : vector<64x1xi32> to vector<64x64xi32>
    %eq3A_26 = vector.broadcast %get3A_22 : vector<1x64xi32> to vector<64x64xi32>
    %eq3A_27 = arith.cmpi eq, %eq3A, %eq3A_26 : vector<64x64xi32>
    %iota3A = tpu.iota {dimensions = array<i32: 0>} : vector<64x64xi32>
    %iota3A_28 = tpu.iota {dimensions = array<i32: 1>} : vector<64x64xi32>
    %lt3A = arith.cmpi slt, %iota3A_28, %iota3A : vector<64x64xi32>
    %and3A = arith.andi %eq3A_27, %lt3A : vector<64x64xi1>
    %jit3A = arith.constant 1 : i32
    %jit3A_29 = arith.constant 0 : i32
    %broadcast_in_dim3A_30 = vector.broadcast %jit3A : i32 to vector<64x64xi32>
    %broadcast_in_dim3A_31 = vector.broadcast %jit3A_29 : i32 to vector<64x64xi32>
    %select_n3A = arith.select %and3A, %broadcast_in_dim3A_30, %broadcast_in_dim3A_31 : vector<64x64xi1>, vector<64x64xi32>
    %reduce_sum3A_32 = arith.constant dense<0> : vector<64xi32>
    %reduce_sum3A_33 = vector.multi_reduction <add>, %select_n3A, %reduce_sum3A_32 [1] : vector<64x64xi32> to vector<64xi32>
    %reshape3A_34 = vector.shape_cast %reduce_sum3A_33 : vector<64xi32> to vector<1x64xi32>
    %iota3A_35 = tpu.iota {dimensions = array<i32: 1>} : vector<64x345xi32>
    %eq3A_36 = vector.broadcast %reshape3A : vector<64x1xi32> to vector<64x345xi32>
    %eq3A_37 = arith.cmpi eq, %eq3A_36, %iota3A_35 : vector<64x345xi32>
    %jit3A_38 = arith.constant 0 : i32
    %broadcast_in_dim3A_39 = vector.shape_cast %get3A_25 : vector<1x345xi32> to vector<1x345xi32>
    %broadcast_in_dim3A_40 = vector.broadcast %broadcast_in_dim3A_39 : vector<1x345xi32> to vector<64x345xi32>
    %broadcast_in_dim3A_41 = vector.broadcast %jit3A_38 : i32 to vector<64x345xi32>
    %select_n3A_42 = arith.select %eq3A_37, %broadcast_in_dim3A_40, %broadcast_in_dim3A_41 : vector<64x345xi1>, vector<64x345xi32>
    %reduce_sum3A_43 = arith.constant dense<0> : vector<64xi32>
    %reduce_sum3A_44 = vector.multi_reduction <add>, %select_n3A_42, %reduce_sum3A_43 [1] : vector<64x345xi32> to vector<64xi32>
    %reshape3A_45 = vector.shape_cast %reduce_sum3A_44 : vector<64xi32> to vector<1x64xi32>
    %add3A_46 = arith.addi %reshape3A_45, %reshape3A_34 : vector<1x64xi32>
    %rem3A = arith.constant 40 : i32
    %rem3A_47 = vector.broadcast %rem3A : i32 to vector<1x64xi32>
    %rem3A_48 = arith.remsi %add3A_46, %rem3A_47 : vector<1x64xi32>
    %mul3A_49 = arith.constant 40 : i32
    %mul3A_50 = vector.broadcast %mul3A_49 : i32 to vector<1x64xi32>
    %mul3A_51 = arith.muli %get3A_22, %mul3A_50 : vector<1x64xi32>
    %add3A_52 = arith.addi %mul3A_51, %rem3A_48 : vector<1x64xi32>
    %swap3A_53 = arith.constant 0 : index
    %swap3A_54 = arith.constant 0 : index
    %swap3A_55 = vector.load %arg7[%swap3A_53, %swap3A_54] : memref<1x64xi32, #tpu.memory_space<vmem>>, vector<1x64xi32>
    tpu.vector_store %arg7[%swap3A_53, %swap3A_54], %add3A_52 {strides = array<i32>} : memref<1x64xi32, #tpu.memory_space<vmem>>, vector<1x64xi32>,
    %jit3A_56 = arith.constant 1 : i32
    %jit3A_57 = arith.constant 0 : i32
    %broadcast_in_dim3A_58 = vector.broadcast %jit3A_56 : i32 to vector<64x345xi32>
    %broadcast_in_dim3A_59 = vector.broadcast %jit3A_57 : i32 to vector<64x345xi32>
    %select_n3A_60 = arith.select %eq3A_37, %broadcast_in_dim3A_58, %broadcast_in_dim3A_59 : vector<64x345xi1>, vector<64x345xi32>
    %reduce_sum3A_61 = arith.constant dense<0> : vector<345xi32>
    %reduce_sum3A_62 = vector.multi_reduction <add>, %select_n3A_60, %reduce_sum3A_61 [0] : vector<64x345xi32> to vector<345xi32>
    %reshape3A_63 = vector.shape_cast %reduce_sum3A_62 : vector<345xi32> to vector<1x345xi32>
    %add3A_64 = arith.addi %get3A_25, %reshape3A_63 : vector<1x345xi32>
    %rem3A_65 = arith.constant 40 : i32
    %rem3A_66 = vector.broadcast %rem3A_65 : i32 to vector<1x345xi32>
    %rem3A_67 = arith.remsi %add3A_64, %rem3A_66 : vector<1x345xi32>
    %swap3A_68 = arith.constant 0 : index
    %swap3A_69 = arith.constant 0 : index
    %swap3A_70 = vector.load %arg8[%swap3A_68, %swap3A_69] : memref<1x345xi32, #tpu.memory_space<vmem>>, vector<1x345xi32>
    tpu.vector_store %arg8[%swap3A_68, %swap3A_69], %rem3A_67 {strides = array<i32>} : memref<1x345xi32, #tpu.memory_space<vmem>>, vector<1x345xi32>,
    return
  }
}

module attributes {stable_mosaic.version = 14 : i64} {
  func.func @_qh_body(%arg0: i32, %arg1: memref<200x3105xf32, #tpu.memory_space<vmem>>, %arg2: memref<64x3105xf32, #tpu.memory_space<vmem>>, %arg3: memref<1x64xi32, #tpu.memory_space<vmem>>, %arg4: memref<200x3105xf32, #tpu.memory_space<vmem>>) attributes {dimension_semantics = [#tpu.dimension_semantics<arbitrary>], iteration_bounds = array<i64: 69>, scalar_prefetch = 0 : i64, scratch_operands = 0 : i64, tpu.core_type = #tpu.core_type<tc>, window_params = [{transform_indices = @transform_0, window_bounds = array<i64: 200, 3105>}, {pipeline_mode = #tpu.pipeline_mode<synchronous>, transform_indices = @transform_1, window_bounds = array<i64: 64, 3105>}, {pipeline_mode = #tpu.pipeline_mode<synchronous>, transform_indices = @transform_2, window_bounds = array<i64: 1, 64>}, {transform_indices = @transform_3, window_bounds = array<i64: 200, 3105>}]} {
    %get3A = arith.constant 0 : index
    %get3A_0 = arith.constant 0 : index
    %get3A_1 = vector.load %arg3[%get3A, %get3A_0] : memref<1x64xi32, #tpu.memory_space<vmem>>, vector<1x64xi32>
    %reshape3A = vector.shape_cast %get3A_1 : vector<1x64xi32> to vector<64x1xi32>
    %iota3A = tpu.iota {dimensions = array<i32: 1>} : vector<64x200xi32>
    %mul3A = arith.constant 200 : i32
    %mul3A_2 = arith.muli %arg0, %mul3A : i32
    %add3A = vector.broadcast %mul3A_2 : i32 to vector<64x200xi32>
    %add3A_3 = arith.addi %iota3A, %add3A : vector<64x200xi32>
    %eq3A = vector.broadcast %reshape3A : vector<64x1xi32> to vector<64x200xi32>
    %eq3A_4 = arith.cmpi eq, %eq3A, %add3A_3 : vector<64x200xi32>
    %convert_element_type3A = arith.extui %eq3A_4 : vector<64x200xi1> to vector<64x200xi32>
    %convert_element_type3A_5 = arith.sitofp %convert_element_type3A : vector<64x200xi32> to vector<64x200xf32>
    %get3A_6 = arith.constant 0 : index
    %get3A_7 = arith.constant 0 : index
    %get3A_8 = vector.load %arg2[%get3A_6, %get3A_7] : memref<64x3105xf32, #tpu.memory_space<vmem>>, vector<64x3105xf32>
    %dot_general3A = arith.constant dense<0.000000e+00> : vector<200x3105xf32>
    %dot_general3A_9 = tpu.matmul %convert_element_type3A_5, %get3A_8, %dot_general3A {dimension_numbers = #tpu.dot_dimension_numbers<[0], [0], [1], [1], [0, 1, 1, 1], [], []>, transpose_lhs_hint = false} : vector<64x200xf32>, vector<64x3105xf32>, vector<200x3105xf32> -> vector<200x3105xf32>
    %reduce_max3A = arith.constant dense<0xFF800000> : vector<200xf32>
    %reduce_max3A_10 = vector.multi_reduction <maximumf>, %convert_element_type3A_5, %reduce_max3A [0] : vector<64x200xf32> to vector<200xf32>
    %reshape3A_11 = vector.shape_cast %reduce_max3A_10 : vector<200xf32> to vector<200x1xf32>
    %gt3A = arith.constant 5.000000e-01 : f32
    %gt3A_12 = vector.broadcast %gt3A : f32 to vector<200x1xf32>
    %gt3A_13 = arith.cmpf ogt, %reshape3A_11, %gt3A_12 : vector<200x1xf32>
    %get3A_14 = arith.constant 0 : index
    %get3A_15 = arith.constant 0 : index
    %get3A_16 = vector.load %arg1[%get3A_14, %get3A_15] : memref<200x3105xf32, #tpu.memory_space<vmem>>, vector<200x3105xf32>
    %broadcast_in_dim3A = vector.shape_cast %gt3A_13 : vector<200x1xi1> to vector<200x1xi1>
    %broadcast_in_dim3A_17 = vector.broadcast %broadcast_in_dim3A : vector<200x1xi1> to vector<200x3105xi1>
    %select_n3A = arith.select %broadcast_in_dim3A_17, %dot_general3A_9, %get3A_16 : vector<200x3105xi1>, vector<200x3105xf32>
    %swap3A = arith.constant 0 : index
    %swap3A_18 = arith.constant 0 : index
    %swap3A_19 = vector.load %arg4[%swap3A, %swap3A_18] : memref<200x3105xf32, #tpu.memory_space<vmem>>, vector<200x3105xf32>
    tpu.vector_store %arg4[%swap3A, %swap3A_18], %select_n3A {strides = array<i32>} : memref<200x3105xf32, #tpu.memory_space<vmem>>, vector<200x3105xf32>,
    return
  }
  func.func @transform_0(%arg0: i32) -> (i32, i32) {
    %c0_i32 = arith.constant 0 : i32
    %c0_i32_0 = arith.constant 0 : i32
    return %arg0, %c0_i32 : i32, i32
  }
  func.func @transform_1(%arg0: i32) -> (i32, i32) {
    %c0_i32 = arith.constant 0 : i32
    %c0_i32_0 = arith.constant 0 : i32
    %c0_i32_1 = arith.constant 0 : i32
    return %c0_i32, %c0_i32_0 : i32, i32
  }
  func.func @transform_2(%arg0: i32) -> (i32, i32) {
    %c0_i32 = arith.constant 0 : i32
    %c0_i32_0 = arith.constant 0 : i32
    %c0_i32_1 = arith.constant 0 : i32
    return %c0_i32, %c0_i32_0 : i32, i32
  }
  func.func @transform_3(%arg0: i32) -> (i32, i32) {
    %c0_i32 = arith.constant 0 : i32
    %c0_i32_0 = arith.constant 0 : i32
    return %arg0, %c0_i32 : i32, i32
  }
}

module attributes {stable_mosaic.version = 14 : i64} {
  func.func @_qz_body(%arg0: i32, %arg1: memref<345x1280xf32, #tpu.memory_space<vmem>>, %arg2: memref<64x345xf32, #tpu.memory_space<vmem>>, %arg3: memref<1x64xi32, #tpu.memory_space<vmem>>, %arg4: memref<345x1280xf32, #tpu.memory_space<vmem>>) attributes {dimension_semantics = [#tpu.dimension_semantics<arbitrary>], iteration_bounds = array<i64: 11>, scalar_prefetch = 0 : i64, scratch_operands = 0 : i64, tpu.core_type = #tpu.core_type<tc>, window_params = [{transform_indices = @transform_0, window_bounds = array<i64: 345, 1280>}, {pipeline_mode = #tpu.pipeline_mode<synchronous>, transform_indices = @transform_1, window_bounds = array<i64: 64, 345>}, {pipeline_mode = #tpu.pipeline_mode<synchronous>, transform_indices = @transform_2, window_bounds = array<i64: 1, 64>}, {transform_indices = @transform_3, window_bounds = array<i64: 345, 1280>}]} {
    %get3A = arith.constant 0 : index
    %get3A_0 = arith.constant 0 : index
    %get3A_1 = vector.load %arg3[%get3A, %get3A_0] : memref<1x64xi32, #tpu.memory_space<vmem>>, vector<1x64xi32>
    %reshape3A = vector.shape_cast %get3A_1 : vector<1x64xi32> to vector<64x1xi32>
    %iota3A = tpu.iota {dimensions = array<i32: 1>} : vector<64x1280xi32>
    %mul3A = arith.constant 1280 : i32
    %mul3A_2 = arith.muli %arg0, %mul3A : i32
    %add3A = vector.broadcast %mul3A_2 : i32 to vector<64x1280xi32>
    %add3A_3 = arith.addi %iota3A, %add3A : vector<64x1280xi32>
    %eq3A = vector.broadcast %reshape3A : vector<64x1xi32> to vector<64x1280xi32>
    %eq3A_4 = arith.cmpi eq, %eq3A, %add3A_3 : vector<64x1280xi32>
    %convert_element_type3A = arith.extui %eq3A_4 : vector<64x1280xi1> to vector<64x1280xi32>
    %convert_element_type3A_5 = arith.sitofp %convert_element_type3A : vector<64x1280xi32> to vector<64x1280xf32>
    %get3A_6 = arith.constant 0 : index
    %get3A_7 = arith.constant 0 : index
    %get3A_8 = vector.load %arg2[%get3A_6, %get3A_7] : memref<64x345xf32, #tpu.memory_space<vmem>>, vector<64x345xf32>
    %dot_general3A = arith.constant dense<0.000000e+00> : vector<345x1280xf32>
    %dot_general3A_9 = tpu.matmul %get3A_8, %convert_element_type3A_5, %dot_general3A {dimension_numbers = #tpu.dot_dimension_numbers<[0], [0], [1], [1], [0, 1, 1, 1], [], []>, transpose_lhs_hint = false} : vector<64x345xf32>, vector<64x1280xf32>, vector<345x1280xf32> -> vector<345x1280xf32>
    %reduce_max3A = arith.constant dense<0xFF800000> : vector<1280xf32>
    %reduce_max3A_10 = vector.multi_reduction <maximumf>, %convert_element_type3A_5, %reduce_max3A [0] : vector<64x1280xf32> to vector<1280xf32>
    %broadcast_in_dim3A = vector.shape_cast %reduce_max3A_10 : vector<1280xf32> to vector<1x1280xf32>
    %gt3A = arith.constant 5.000000e-01 : f32
    %gt3A_11 = vector.broadcast %gt3A : f32 to vector<1x1280xf32>
    %gt3A_12 = arith.cmpf ogt, %broadcast_in_dim3A, %gt3A_11 : vector<1x1280xf32>
    %get3A_13 = arith.constant 0 : index
    %get3A_14 = arith.constant 0 : index
    %get3A_15 = vector.load %arg1[%get3A_13, %get3A_14] : memref<345x1280xf32, #tpu.memory_space<vmem>>, vector<345x1280xf32>
    %broadcast_in_dim3A_16 = vector.shape_cast %gt3A_12 : vector<1x1280xi1> to vector<1x1280xi1>
    %broadcast_in_dim3A_17 = vector.broadcast %broadcast_in_dim3A_16 : vector<1x1280xi1> to vector<345x1280xi1>
    %select_n3A = arith.select %broadcast_in_dim3A_17, %dot_general3A_9, %get3A_15 : vector<345x1280xi1>, vector<345x1280xf32>
    %swap3A = arith.constant 0 : index
    %swap3A_18 = arith.constant 0 : index
    %swap3A_19 = vector.load %arg4[%swap3A, %swap3A_18] : memref<345x1280xf32, #tpu.memory_space<vmem>>, vector<345x1280xf32>
    tpu.vector_store %arg4[%swap3A, %swap3A_18], %select_n3A {strides = array<i32>} : memref<345x1280xf32, #tpu.memory_space<vmem>>, vector<345x1280xf32>,
    return
  }
  func.func @transform_0(%arg0: i32) -> (i32, i32) {
    %c0_i32 = arith.constant 0 : i32
    %c0_i32_0 = arith.constant 0 : i32
    return %c0_i32, %arg0 : i32, i32
  }
  func.func @transform_1(%arg0: i32) -> (i32, i32) {
    %c0_i32 = arith.constant 0 : i32
    %c0_i32_0 = arith.constant 0 : i32
    %c0_i32_1 = arith.constant 0 : i32
    return %c0_i32, %c0_i32_0 : i32, i32
  }
  func.func @transform_2(%arg0: i32) -> (i32, i32) {
    %c0_i32 = arith.constant 0 : i32
    %c0_i32_0 = arith.constant 0 : i32
    %c0_i32_1 = arith.constant 0 : i32
    return %c0_i32, %c0_i32_0 : i32, i32
  }
  func.func @transform_3(%arg0: i32) -> (i32, i32) {
    %c0_i32 = arith.constant 0 : i32
    %c0_i32_0 = arith.constant 0 : i32
    return %c0_i32, %arg0 : i32, i32
  }
}

</mosaic_0001>

<sc_bundles>
// kernel: sparse-core-data-format-call.cloned.1.call-start
scs
called_computation_lowered:
.L_overlay_start_0:
0x0: {  	s2 =	sld [smem:$0x3FD9]  }
0x1: {  	s3 =	sld [smem:$0x3FFE];
	_ =	sdelay $0x1  }
0x2: {  	s1 =	srdreg.scid  }
0x3: {  	s0 =	sand.u32 $0x1, s1  }
0x4: {  	s15 =	sshll.u32 s0, $0xA;
	s2 =	sadd.s32 s3, s2  }
0x5: {  	s2 =	sadd.s32 s2, s15  }
0x6: {  	[smem:$0x3FC0] =	sst s2  }
0x7: {  	_ = 	snop  }
0x8: {  	s2 =	sld [smem:$0x3FD0];
	_ =	sdelay $0x2  }
0x9: {  	s16 =	simm.s32 $0xA;
	s4 =	simm.s32 $0x10  }
0xa: {  	[smem:s4], [sflag:s16] =	dma.local [hbm:s2], $0x1  }
0xb: {  	_ =	swait.eq [sflag:s16], $0x1  }
0xc: {  	[sflag:s16] =	ssyncset.done $0x0  }
0xd: {  	[sflag:s16] =	ssyncadd.s32 $0xFFFFFFFF  }
0xe: {  	s17 =	sld [smem:$0x12];
	(tm) =	ssettm $0x1  }
0xf: {  	s18 =	sld [smem:$0x3FFB];
	_ =	sdelay $0x3  }
0x10: {  	_ =	strace s18  }
0x11: {  	s3 =	sld [smem:$0x3FFC];
	_ =	sdelay $0x3  }
0x12: {  	_ =	strace s3  }
0x13: {  	s3 =	sld [smem:$0x3FFD];
	_ =	sdelay $0x3  }
0x14: {  	_ =	strace s3  }
0x15: {  	_ =	strace $0x8FFFFFFF  }
0x16: {  	s19 =	sld [smem:$0x3FDB];
	_ =	sdelay $0x1  }
0x17: {  	s20 =	simm.s32 $_scs_section_size  }
0x18: {  	s5 =	simm.s32 $_size__tile_overlayer_lowered;
	s6 =	simm.s32 $_tile_overlayer_lowered  }
0x19: {  	s23 =	simm.s32 $0x1BFF;
	s22 =	sshll.u32 s6, $0x1;
	s3 =	sadd.s32 s20, s19  }
0x1a: {  	s7 =	simm.s32 $0x0;
	s21 =	sshll.u32 s5, $0x1;
	s5 =	sadd.s32 s22, s3  }
0x1b: {  	[timem:s7], [sflag:s23] =	dma.local [hbm:s5], s21  }
0x1c: {  	_ =	swait.ge [sflag:s23], s21  }
0x1d: {  	s4 =	ssub.s32 $0x0, s21;
	[sflag:s23] =	ssyncset.done $0x0  }
0x1e: {  	[sflag:s23] =	ssyncadd.s32 s4;
	_ =	sdelay $0x1  }
0x1f: {  	s24 =	simm.s32 $0x1B8B  }
0x20: {  	_ =	swait.ge [sflag:s24], $0x1  }
0x21: {  	[sflag:s24] =	ssyncset.done $0x0  }
0x22: {  	s26 =	simm.s32 $0x1B8E;
	s25 =	sld [smem:$0x3FFE];
	[sflag:s24] =	ssyncadd.s32 $0xFFFFFFFF  }
0x23: {  	s27 =	simm.s32 $execute0_lowered;
	[smem:$0x3FD2] =	sst s26  }
0x24: {  	s5 =	sshll.u32 s27, $0x1;
	_ =	strace $0x80000046;
	[dreg:$0x1] =	wrdreg $0xFFFFFFFF  }
0x25: {  	s28 =	simm.s32 $_size_execute0_lowered;
	s3 =	sadd.s32 s3, s5;
	[dreg:$0x0] =	wrdreg $0x0  }
0x26: {  	s5 =	sshll.u32 s28, $0x1;
	[dreg:$0x2] =	wrdreg s3  }
0x27: {  	[dreg:$0x3] =	wrdreg s5  }
0x28: {  	[dreg:$0x4] =	wrdreg $0xC0  }
0x29: {  	_ =	task [dreg:s7], $0x5FFFF  }
0x2a: {  	[dreg:$0x1] =	wrdreg $0xFFFFFFFF  }
0x2b: {  	[dreg:$0x0] =	wrdreg $0x60  }
0x2c: {  	[dreg:$0x2] =	wrdreg s25  }
0x2d: {  	[dreg:$0x3] =	wrdreg s17  }
0x2e: {  	[dreg:$0x4] =	wrdreg $0x9  }
0x2f: {  	_ =	task.clear_ibuf [dreg:s7], $0x5FFFF;
	_ =	strace $0x90000046  }
0x30: {  	s29 =	simm.s32 $0x9;
	_ =	strace $0x80000048  }
0x31: {  	_ =	swait.ge [sflag:s29], $0x1  }
0x32: {  	[sflag:s29] =	ssyncadd.s32 $0xFFFFFFFF  }
0x33: {  	_ =	strace $0x90000048  }
0x34: {  	_ =	sfence  }
0x35: {  	s30 =	sld [smem:$0x0];
	_ =	sdelay $0x2  }
0x36: {  	s31 =	sshll.u32 s1, $0xD;
	s1 =	sshrl.u32 s1, $0x2  }
0x37: {  	s3 =	sand.u32 $0x4000, s31;
	s1 =	sadd.s32 s1, s30  }
0x38: {  	s0 =	sor.u32 s3, s0;
	s1 =	sshll.u32 s1, $0x11  }
0x39: {  	s0 =	sor.u32 s1, s0  }
0x3a: {  	s0 =	sadd.s32 $0x8F2B, s0  }
0x3b: {  	[sflag:s0] =	ssyncadd.remote.s32 $0x1  }
0x3c: {  	_ =	sfence.sel $0xFFFF  }
0x3d: {  	[dreg:$0x0] =	wrdreg $0xFFFFFFFF;
	(pc) =	sbr.abs _section_cstart, $3  }
0x3e: {  	[dreg:$0x1] =	wrdreg $0xFFFFFFFF  }
0x3f: {  	_ =	task.clear_ibuf [dreg:s7], $0x2FFFF;
	_ =	strace $0x9FFFFFFF  }
0x40: {  	(tm) =	ssettm $0x7FFFFFFF  }
0x41: {  	_ =	shalt  }
tec
execute0_lowered:
.L_overlay_start_1:
0x0: {  	(tag) =	ssettag $0x1  }
0x1: {  	s0 =	rddreg [dreg:$0x0]  }
0x2: {  	_ =	strace $0x80000047;
	s3 =	stileid.u32;
	s24 =	srdreg.scid  }
0x3: {  	s4 =	simm.s32 $0x1;
	s30 =	simm.s32 $0x2;
	s22 =	simm.s32 $0x0  }
0x4: {  	s23 =	simm.s32 $0x0;
	s14 =	simm.s32 $0x0;
	s15 =	simm.s32 $0x0  }
0x5: {  	s16 =	simm.s32 $0x0;
	s18 =	simm.s32 $0x0;
	s17 =	simm.s32 $0x0  }
0x6: {  	s21 =	simm.s32 $0x0;
	s13 =	sadd.s32 $0x546400, s0;
	s1 =	sshll.u32 s3, $0x7  }
0x7: {  	s0 =	sshll.u32 s24, $0x8;
	s2 =	sshll.u32 s3, $0x4;
	s3 =	sshrl.u32 s3, $0x2  }
0x8: {  	[sflag:s4] =	ssyncpa.u1 $0x0;
	s24 =	simm.s32 $0x0;
	s11 =	sand.u32 $0x180, s1  }
0x9: {  	s0 =	sor.u32 s2, s0;
	s5 =	sand.u32 $0x1, s3;
	[sflag:s30] =	ssyncpa.u1 $0x0  }
0xa: {  	s6 =	sand.u32 $0x180, s0;
	s0 =	ssub.s32 $0x159, s11;
	s25 =	ssub.s32 $0x28, s5  }
0xb: {  	p0 =	sgt.s32 s0, $0x0;
	s26 =	sshrl.u32 s25, $0x1;
	s1 =	sand.u32 $0x1, s25  }
0xc: {  	s3 =	ssub.s32 $0x159, s6;
	s31 =	smax.u32 s6, $0x100;
	[dreg:$0x3] =	wrdreg s6  }
0xd: {  	s0 =	simm.s32 @!p0 $0x0;
	s1 =	sadd.s32 s1, s26;
	p0 =	sgt.s32 s3, $0x0  }
0xe: {  	s0 =	sand.u32 $0x1D9, s0;
	s3 =	simm.s32 @!p0 $0x0;
	s8 =	smul.u32 $0x9, s1  }
.Ltmp0:
0xf: {  	p0 =	seq.s32 s0, $0x0;
	s29 =	sand.u32 $0x1D9, s3;
	(pc) =	sbr.rel .LBB1_1-.Ltmp0, $4  }
0x10: {  	s26 =	sshll.u32 s6, $0x3;
	p1 =	seq.s32 s29, $0x0;
	s8 =	simm.s32 @p0 $0x0  }
0x11: {  	s27 =	sxor.u32 $0x180, s31;
	[dreg:$0x4] =	wrdreg s26;
	s8 =	simm.s32 @p1 $0x0  }
0x12: {  	s19 =	smov.u32 s5;
	[dreg:$0x5] =	wrdreg s27;
	s28 =	sadd.s32 $0x1, s8  }
0x13: {  	s20 =	smov.u32 s11;
	s25 =	simm.s32 $0x0;
	[dreg:$0x6] =	wrdreg s28  }
.LBB1_12:
0x14: {  	s0 =	sshrl.u32 s16, $0x3;
	s2 =	sshll.u32 s16, $0x7;
	p0 =	sgt.s32 s15, $0x8  }
0x15: {  	s0 =	smul.u32 $0xC00, s0;
	s10 =	sand.u32 $0x380, s2;
	s2 =	smov.u32 s15  }
0x16: {  	s1 =	sshll.u32 s14, $0x3;
	s2 =	simm.s32 @!p0 $0x8  }
0x17: {  	s0 =	sadd.s32 s0, s1;
	s2 =	sadd.s32 s26, s2  }
0x18: {  	s12 =	smul.u32 $0x4380, s18;
	s0 =	sor.u32 s10, s0;
	s7 =	sadd.s32 $0xFFFFFFF8, s2  }
0x19: {  	s2 =	ssub.s32 $0x9, s2;
	s1 =	smulhi.u32 $0xAAAAAAAB, s0;
	p0 =	sgt.s32 s7, $0x0  }
0x1a: {  	s13 =	smul.u32 $0x780, s15;
	s2 =	simm.s32 @p0 $0x0  }
0x1b: {  	s1 =	sshrl.u32 s1, $0x8;
	s2 =	smul.u32 s2, s27  }
0x1c: {  	s29 =	sor.u32 $0x8000, s28;
	s3 =	smulhi.u32 $0x6666667, s1  }
0x1d: {  	s30 =	simm.s32 $0x80;
	s28 =	rddreg [dreg:$0x6];
	s4 =	smul.u32 $0x180, s1  }
0x1e: {  	s31 =	simm.s32 $0x21C00;
	s26 =	rddreg [dreg:$0x1];
	s3 =	smul.u32 $0x28, s3  }
0x1f: {  	s27 =	rddreg [dreg:$0x5];
	s2 =	sand.u32 $0x3FFFFF80, s2;
	s0 =	ssub.s32 s0, s4  }
0x20: {  	s0 =	sshrl.u32 s0, $0x3;
	s1 =	ssub.s32 s1, s3;
	s3 =	sadd.s32 s26, s12  }
0x21: {  	s26 =	rddreg [dreg:$0x4];
	s1 =	smul.u32 $0x30, s1;
	s3 =	sadd.s32 s13, s3  }
0x22: {  	s13 =	smov.u32 s11;
	s11 =	smov.u32 s5;
	s0 =	sadd.s32 s0, s3  }
0x23: {  	s5 =	smov.u32 s6;
	s6 =	rddreg [dreg:$0x3];
	s0 =	sadd.s32 s1, s0  }
0x24: {  	[hbm4b:s0+s30] =	stream.strided.scatter [tilespmem:s29], [sflag:$0x2], s2, s31, s30, $0x38;
	[tilespmem:$0x10000] =	vst v63  }
.LBB1_13:
0x25: {  	p0 =	slt.u32 s21, $0x2  }
0x26: {  	s0 =	smov.u32 s25;
	p1 =	sgt.s32 @!p0 s25, $0xD9  }
0x27: {  	s1 =	sshra.s32 @!p0 s25, $0x1F;
	p2 =	sgt.s32 @!p0 s23, $0x8;
	p1 =	por !p1, p0  }
0x28: {  	p3 =	sgt.s32 @!p0 s24, $0x27;
	s1 =	sand.u32 @!p0 s1, s25;
	s0 =	simm.s32 @p1 $0xD9  }
0x29: {  	s2 =	sshra.s32 @!p0 s23, $0x1F;
	p3 =	por !p3, p0;
	s0 =	ssub.s32 @!p0 s0, s1  }
0x2a: {  	p2 =	por !p2, p0;
	s2 =	sand.u32 @!p0 s2, s23;
	s1 =	sadd.s32 @!p0 $0xFFFFFF27, s0  }
0x2b: {  	s23 =	simm.s32 @p2 $0x8;
	p1 =	sgt.s32 @!p0 s1, $0x7F;
	s1 =	sshra.s32 @!p0 s24, $0x1F  }
0x2c: {  	p2 =	sgt.s32 @!p0 s22, $0x100;
	s1 =	sand.u32 @!p0 s1, s24;
	s24 =	simm.s32 @p3 $0x27  }
0x2d: {  	p2 =	por !p2, p0;
	s1 =	ssub.s32 @!p0 s24, s1  }
0x2e: {  	s0 =	ssub.s32 @!p0 $0x159, s0;
	p1 =	por !p1, p0;
	s3 =	sadd.s32 @!p0 $0xFFFFFFD9, s1  }
0x2f: {  	p3 =	sgt.s32 @!p0 s22, $0x17F;
	s0 =	simm.s32 @!p1 $0x0;
	p1 =	sgt.s32 @!p0 s3, $0x0  }
0x30: {  	s22 =	simm.s32 @p2 $0x100;
	s1 =	ssub.s32 @!p0 $0x28, s1;
	p1 =	por !p1, p0  }
0x31: {  	s2 =	ssub.s32 @!p0 s23, s2;
	s4 =	ssub.s32 @!p0 $0x180, s22;
	s1 =	simm.s32 @!p1 $0x0  }
0x32: {  	s3 =	sadd.s32 @!p0 $0xFFFFFFF8, s2;
	p1 =	por !p3, p0;
	s0 =	smul.u32 @!p0 s0, s1  }
0x33: {  	p2 =	sgt.s32 @!p0 s3, $0x0;
	s4 =	simm.s32 @!p1 $0x0  }
0x34: {  	s1 =	ssub.s32 @!p0 $0x9, s2;
	p1 =	por !p2, p0;
	s0 =	smul.u32 @!p0 s4, s0  }
0x35: {  	s1 =	simm.s32 @!p1 $0x0  }
0x36: {  	s0 =	smul.u32 @!p0 s1, s0;
	s1 =	sadd.s32 $0x1, s17  }
0x37: {  	s3 =	smov.u32 s19;
	s2 =	sadd.s32 $0x2, s19;
	p1 =	sgt.s32 s1, $0x8  }
0x38: {  	s7 =	smov.u32 s20;
	s31 =	sadd.s32 $0x1, s21;
	s3 =	smov.u32 @p1 s2  }
0x39: {  	s25 =	smov.u32 s18;
	s2 =	sadd.s32 $0x200, s20;
	p2 =	sgt.s32 s3, $0x27  }
0x3a: {  	s18 =	smov.u32 s20;
	s23 =	smov.u32 s15;
	s7 =	smov.u32 @p2 s2  }
0x3b: {  	s15 =	smov.u32 s17;
	s1 =	simm.s32 @p1 $0x0;
	p1 =	sgt.s32 s7, $0x158  }
0x3c: {  	s24 =	smov.u32 s16;
	s7 =	smov.u32 @p1 s11;
	p1 =	sne.s32 s21, s28  }
.Ltmp1:
0x3d: {  	s4 =	simm.s32 @!p0 $0x2;
	s0 =	sand.u32 @!p0 $0x3FFFFFFF, s0;
	(pc) =	sbr.rel @!p1 .LBB1_14-.Ltmp1, $4  }
0x3e: {  	s22 =	smov.u32 s14;
	s16 =	smov.u32 s19;
	_ =	swait.ge @!p0 [sflag:s4], s0  }
0x3f: {  	s14 =	smov.u32 s6;
	s0 =	ssub.s32 @!p0 $0x0, s0;
	[sflag:s4] =	ssyncset.done @!p0 $0x0  }
0x40: {  	s17 =	smov.u32 s1;
	s3 =	smov.u32 @p2 s5;
	[sflag:s4] =	ssyncadd.s32 @!p0 s0  }
0x41: {  	s19 =	smov.u32 s3;
	s21 =	smov.u32 s31;
	s20 =	smov.u32 s7  }
.LBB1_1:
0x42: {  	p0 =	sge.u32 s21, s8  }
0x43: {  	s0 =	smov.u32 s20;
	p1 =	sgt.s32 @!p0 s20, $0xD9  }
0x44: {  	s31 =	sadd.s32 $0xFFFFFFFF, s21;
	s1 =	sshra.s32 @!p0 s20, $0x1F;
	p1 =	por !p1, p0  }
0x45: {  	s2 =	sshrl.u32 @!p0 s17, $0x3;
	s1 =	sand.u32 @!p0 s1, s20;
	s0 =	simm.s32 @p1 $0xD9  }
0x46: {  	s7 =	sshll.u32 @!p0 s17, $0x7;
	s2 =	smul.u32 @!p0 $0xC00, s2;
	s0 =	ssub.s32 @!p0 s0, s1  }
0x47: {  	s9 =	sshra.s32 @!p0 s19, $0x1F;
	s12 =	sshra.s32 @!p0 s17, $0x1F;
	s3 =	sadd.s32 @!p0 $0xFFFFFF27, s0  }
0x48: {  	s9 =	sand.u32 @!p0 s9, s19;
	s2 =	sadd.s32 @!p0 s26, s2;
	p1 =	sgt.s32 @!p0 s3, $0x7F  }
0x49: {  	s0 =	ssub.s32 @!p0 $0x159, s0;
	s3 =	sand.u32 @!p0 $0x380, s7;
	p1 =	por !p1, p0  }
0x4a: {  	s2 =	sor.u32 @!p0 s3, s2;
	s0 =	simm.s32 @!p1 $0x0;
	p1 =	sgt.s32 @!p0 s19, $0x27  }
0x4b: {  	s7 =	smov.u32 s19;
	s3 =	smulhi.u32 @!p0 $0xAAAAAAAB, s2;
	p1 =	por !p1, p0  }
0x4c: {  	s1 =	sxor.u32 @!p0 $0xFFFFFFFF, s21;
	s0 =	smul.u32 @!p0 s27, s0;
	s7 =	simm.s32 @p1 $0x27  }
0x4d: {  	p1 =	sgt.s32 @!p0 s17, $0xF;
	s3 =	sshrl.u32 @!p0 s3, $0x8;
	s7 =	ssub.s32 @!p0 s7, s9  }
0x4e: {  	p1 =	por !p1, p0;
	s9 =	smov.u32 s17;
	s10 =	sadd.s32 @!p0 $0xFFFFFFD9, s7  }
0x4f: {  	s9 =	simm.s32 @p1 $0xF;
	p1 =	sgt.s32 @!p0 s10, $0x0;
	s10 =	sand.u32 @!p0 s12, s17  }
0x50: {  	s7 =	ssub.s32 @!p0 $0x28, s7;
	p1 =	por !p1, p0;
	s9 =	ssub.s32 @!p0 s9, s10  }
0x51: {  	s10 =	smul.u32 @!p0 $0x180, s3;
	s7 =	simm.s32 @!p1 $0x0;
	s12 =	sadd.s32 @!p0 $0xFFFFFFF1, s9  }
0x52: {  	s1 =	sshll.u32 @!p0 s1, $0xE;
	p1 =	sgt.s32 @!p0 s12, $0x0;
	s0 =	smul.u32 @!p0 s7, s0  }
0x53: {  	s7 =	ssub.s32 @!p0 $0x10, s9;
	s9 =	smul.u32 @!p0 $0x7800, s20;
	p1 =	por !p1, p0  }
0x54: {  	s2 =	ssub.s32 @!p0 s2, s10;
	s10 =	smul.u32 @!p0 $0x300, s19;
	s7 =	simm.s32 @!p1 $0x0  }
0x55: {  	s3 =	sand.u32 @!p0 $0xF, s3;
	s0 =	smul.u32 @!p0 s7, s0;
	s7 =	sadd.s32 @!p0 s13, s9  }
0x56: {  	s3 =	smul.u32 @!p0 $0x30, s3;
	s2 =	sshrl.u32 @!p0 s2, $0x3;
	s7 =	sadd.s32 @!p0 s10, s7  }
0x57: {  	s1 =	sand.u32 @!p0 $0x4000, s1;
	s0 =	sand.u32 @!p0 $0x3FFFFF80, s0;
	s2 =	sadd.s32 @!p0 s2, s7  }
0x58: {  	s7 =	simm.s32 @!p0 $0x3C000;
	s2 =	sadd.s32 @!p0 s3, s2;
	s3 =	simm.s32 @!p0 $0x80  }
0x59: {  	[tilespmem:s1], [sflag:$0x1] =	stream.strided.gather @!p0 [hbm4b:s2+s3], s0, s7, s3, $0x38;
	[tilespmem:$0x10000] =	vst v63  }
0x5a: {  	p0 =	sge.u32 s31, s8  }
.Ltmp2:
0x5b: {  	_ = 	snop;
	(pc) =	sbr.rel @p0 .LBB1_13-.Ltmp2, $1  }
0x5c: {  	_ =	sdelay $0x3  }
0x5d: {  	s6 =	smov.u32 s5  }
0x5e: {  	s5 =	smov.u32 s11;
	s11 =	smov.u32 s13;
	p0 =	sgt.s32 s18, $0xD9  }
0x5f: {  	s0 =	smov.u32 s18;
	s1 =	sshra.s32 s18, $0x1F;
	s2 =	sshra.s32 s16, $0x1F  }
0x60: {  	s4 =	ssub.s32 $0x0, s15;
	s7 =	sshra.s32 s15, $0x1F;
	s9 =	smov.u32 s15  }
0x61: {  	p1 =	sgt.s32 s14, $0x100;
	s10 =	smov.u32 s14;
	s0 =	simm.s32 @!p0 $0xD9  }
0x62: {  	s1 =	sand.u32 s1, s18;
	p0 =	sgt.s32 s16, $0x27;
	s2 =	sand.u32 s2, s16  }
0x63: {  	s26 =	sand.u32 s4, s7;
	s10 =	simm.s32 @!p1 $0x100;
	s0 =	ssub.s32 s0, s1  }
0x64: {  	s1 =	smov.u32 s16;
	s13 =	ssub.s32 $0x180, s10;
	s3 =	sadd.s32 $0xFFFFFF27, s0  }
0x65: {  	s1 =	simm.s32 @!p0 $0x27;
	s0 =	ssub.s32 $0x159, s0;
	p0 =	sgt.s32 s3, $0x7F  }
0x66: {  	s1 =	ssub.s32 s1, s2;
	s0 =	simm.s32 @p0 $0x0;
	p0 =	sgt.s32 s15, $0xF  }
0x67: {  	s2 =	sadd.s32 $0xFFFFFFD9, s1;
	s1 =	ssub.s32 $0x28, s1;
	s9 =	simm.s32 @!p0 $0xF  }
0x68: {  	p0 =	sgt.s32 s2, $0x0;
	s0 =	smul.u32 s0, s13;
	s12 =	sadd.s32 s26, s9  }
0x69: {  	s1 =	simm.s32 @p0 $0x0;
	s4 =	sadd.s32 $0xFFFFFFF1, s12;
	s2 =	ssub.s32 $0x10, s12  }
0x6a: {  	s27 =	smul.u32 s1, s0;
	s0 =	sadd.s32 $0x80, s18;
	p0 =	sgt.s32 s4, $0x0  }
0x6b: {  	s1 =	sadd.s32 $0x1, s16;
	s2 =	simm.s32 @p0 $0x0;
	p0 =	slt.s32 s0, $0x159  }
0x6c: {  	s0 =	simm.s32 @!p0 $0x159;
	p0 =	slt.s32 s1, $0x28  }
0x6d: {  	s29 =	ssub.s32 s0, s18;
	s1 =	simm.s32 @!p0 $0x28;
	s0 =	sadd.s32 $0x1, s15  }
0x6e: {  	s30 =	ssub.s32 s1, s16;
	p1 =	slt.s32 s0, $0x9;
	p0 =	slt.s32 s29, $0x1  }
0x6f: {  	s0 =	simm.s32 @!p1 $0x9;
	p1 =	slt.s32 @!p0 s30, $0x1  }
0x70: {  	s31 =	ssub.s32 s0, s15;
	p1 =	por p0, p1  }
0x71: {  	p2 =	slt.s32 @!p1 s31, $0x1  }
0x72: {  	s2 =	smul.u32 s2, s27;
	p1 =	por p1, p2  }
.Ltmp3:
0x73: {  	_ = 	snop;
	(pc) =	sbr.rel @p1 .LBB1_12-.Ltmp3, $4  }
0x74: {  	s12 =	simm.s32 $0x1;
	s9 =	sand.u32 $0x3FFFFF80, s2  }
0x75: {  	_ =	swait.ge [sflag:s12], s9  }
0x76: {  	s13 =	sshll.u32 s21, $0xE;
	s10 =	ssub.s32 $0x0, s9;
	[sflag:s12] =	ssyncset.done $0x0  }
0x77: {  	s28 =	sand.u32 $0x4000, s13;
	[sflag:s12] =	ssyncadd.s32 s10  }
0x78: {  	p1 =	slt.s32 s14, $0xD9;
	s0 =	smov.u32 s14  }
.Ltmp4:
0x79: {  	s0 =	simm.s32 @!p1 $0xD9;
	(pc) =	sbr.rel .LBB1_4-.Ltmp4, $4  }
0x7a: {  	s1 =	ssub.s32 s0, s14  }
0x7b: {  	s2 =	sadd.s32 $0x8F, s1  }
0x7c: {  	s12 =	simm.s32 $0x0;
	s0 =	sand.u32 $0xFFFFFFF0, s2;
	s10 =	sand.u32 @!p0 $0xFFFFFF00, s2  }
0x7d: {  	s2 =	sor.u32 @!p0 $0x8000, s28;
	p0 =	slt.s32 s1, $0x71;
	p1 =	sge.s32 s10, s0  }
.LBB1_11:
0x7e: {  	s12 =	sadd.s32 $0x1, s12  }
0x7f: {  	p2 =	sne.s32 s12, s29  }
.Ltmp5:
0x80: {  	_ = 	snop;
	(pc) =	sbr.rel @!p2 .LBB1_12-.Ltmp5, $1  }
0x81: {  	_ =	sdelay $0x3  }
.LBB1_4:
.Ltmp6:
0x82: {  	(pc) =	sbr.rel .LBB1_5-.Ltmp6, $2  }
0x83: {  	_ =	sdelay $0x2  }
0x84: {  	s13 =	simm.s32 $0x0  }
.LBB1_10:
0x85: {  	s13 =	sadd.s32 $0x1, s13  }
0x86: {  	p2 =	sne.s32 s13, s30  }
.Ltmp7:
0x87: {  	_ = 	snop;
	(pc) =	sbr.rel @!p2 .LBB1_11-.Ltmp7, $1  }
0x88: {  	_ =	sdelay $0x3  }
.LBB1_5:
.Ltmp8:
0x89: {  	s7 =	sadd.s32 s12, s13;
	(pc) =	sbr.rel .LBB1_6-.Ltmp8, $4  }
0x8a: {  	s3 =	sshll.u32 s13, $0x7;
	s1 =	sshll.u32 s7, $0x9  }
0x8b: {  	s3 =	sand.u32 $0x380, s3;
	s1 =	sshra.s32 s1, $0x2  }
0x8c: {  	s9 =	sand.u32 $0x7, s13;
	s4 =	sadd.s32 s3, s2;
	s1 =	sadd.s32 s1, s28  }
0x8d: {  	s3 =	sadd.s32 s9, s12;
	s9 =	simm.s32 $0x0;
	v1 =	vmov s4;
	v0 =	vmov s1  }
.LBB1_9:
0x8e: {  	s9 =	sadd.s32 $0x1, s9  }
0x8f: {  	p2 =	sne.s32 s9, s31  }
.Ltmp9:
0x90: {  	_ = 	snop;
	(pc) =	sbr.rel @!p2 .LBB1_10-.Ltmp9, $1  }
0x91: {  	_ =	sdelay $0x3  }
.LBB1_6:
0x92: {  	_ =	sdelay $0x1  }
0x93: {  	s1 =	sshll.u32 @!p0 s9, $0x7  }
0x94: {  	s1 =	sand.u32 @!p0 $0x380, s1  }
0x95: {  	v2 =	vld.idx.msk @!p0 [tilespmem:v0+s1+$0x0 ss:$0x1], $0xffff  }
0x96: {  	v3 =	vld.idx.msk @!p0 [tilespmem:v0+s1+$0x10 ss:$0x1], $0xffff  }
0x97: {  	s4 =	sadd.s32 @!p0 s12, s9;
	v4 =	vld.idx.msk @!p0 [tilespmem:v0+s1+$0x20 ss:$0x1], $0xffff  }
0x98: {  	s4 =	sshll.u32 @!p0 s4, $0x9;
	v5 =	vld.idx.msk @!p0 [tilespmem:v0+s1+$0x30 ss:$0x1], $0xffff  }
0x99: {  	v6 =	vld.idx.msk @!p0 [tilespmem:v0+s1+$0x40 ss:$0x1], $0xffff;
	s4 =	sshra.s32 @!p0 s4, $0x2  }
0x9a: {  	v7 =	vld.idx.msk @!p0 [tilespmem:v0+s1+$0x50 ss:$0x1], $0xffff;
	[tilespmem:v1+s4+$0x0 ss:$0x1] =	vst.idx.msk @!p0 $0xffff, v2  }
0x9b: {  	v2 =	vld.idx.msk @!p0 [tilespmem:v0+s1+$0x60 ss:$0x1], $0xffff;
	[tilespmem:v1+s4+$0x10 ss:$0x1] =	vst.idx.msk @!p0 $0xffff, v3  }
0x9c: {  	v3 =	vld.idx.msk @!p0 [tilespmem:v0+s1+$0x70 ss:$0x1], $0xffff;
	[tilespmem:v1+s4+$0x20 ss:$0x1] =	vst.idx.msk @!p0 $0xffff, v4  }
.Ltmp10:
0x9d: {  	[tilespmem:v1+s4+$0x30 ss:$0x1] =	vst.idx.msk @!p0 $0xffff, v5;
	(pc) =	sbr.rel @p1 .LBB1_9-.Ltmp10, $4  }
0x9e: {  	[tilespmem:v1+s4+$0x40 ss:$0x1] =	vst.idx.msk @!p0 $0xffff, v6  }
0x9f: {  	[tilespmem:v1+s4+$0x50 ss:$0x1] =	vst.idx.msk @!p0 $0xffff, v7  }
0xa0: {  	[tilespmem:v1+s4+$0x60 ss:$0x1] =	vst.idx.msk @!p0 $0xffff, v2  }
0xa1: {  	[tilespmem:v1+s4+$0x70 ss:$0x1] =	vst.idx.msk @!p0 $0xffff, v3  }
0xa2: {  	s1 =	sand.u32 $0x7, s9  }
0xa3: {  	s1 =	sadd.s32 s1, s7  }
0xa4: {  	s1 =	sshll.u32 s1, $0x9  }
0xa5: {  	s1 =	sshra.s32 s1, $0x2  }
0xa6: {  	s4 =	sadd.s32 s3, s9;
	s1 =	sadd.s32 s1, s28  }
0xa7: {  	s4 =	sshll.u32 s4, $0x9;
	v2 =	vmov s1  }
0xa8: {  	s4 =	sshra.s32 s4, $0x2  }
0xa9: {  	s4 =	sadd.s32 s4, s2  }
0xaa: {  	v3 =	vmov s4;
	s1 =	smov.u32 s10  }
.LBB1_8:
0xab: {  	s4 =	sand.u32 $0x70, s1;
	s1 =	sadd.s32 $0x10, s1  }
0xac: {  	v4 =	vld.idx.msk [tilespmem:v2+s4+$0x0 ss:$0x1], $0xffff;
	p2 =	slt.s32 s1, s0  }
.Ltmp11:
0xad: {  	_ = 	snop;
	(pc) =	sbr.rel @p2 .LBB1_8-.Ltmp11, $2  }
0xae: {  	_ =	sdelay $0x2  }
0xaf: {  	[tilespmem:v3+s4+$0x0 ss:$0x1] =	vst.idx.msk $0xffff, v4  }
.Ltmp12:
0xb0: {  	_ = 	snop;
	(pc) =	sbr.rel .LBB1_9-.Ltmp12, $1  }
0xb1: {  	_ =	sdelay $0x3  }
.LBB1_14:
0xb2: {  	_ =	sfence.sel $0x180000  }
0xb3: {  	s0 =	simm.s32 $0x1;
	[bflag:$0x0] =	sbarrier.arrive $0xFFFF  }
0xb4: {  	s30 =	simm.s32 $0x2;
	[sflag:s0] =	ssyncpa.u1 $0x1  }
0xb5: {  	[sflag:s30] =	ssyncpa.u1 $0x1  }
0xb6: {  	_ =	strace $0x90000047  }
0xb7: {  	s31 =	stileid.u32;
	[bflag:$0x2] =	sbarrier.arrive $0xFFFF  }
0xb8: {  	p0 =	sne.s32 s31, $0x0;
	s0 =	rddreg [dreg:$0x2]  }
0xb9: {  	s0 =	sadd.s32 @!p0 $0x100000, s0  }
0xba: {  	[sflag:s0] =	ssyncadd.tile.s32 @!p0 $0x1;
	_ =	shalt  }
.Lfunc_end1:
_tile_overlayer_lowered:
.L_overlay_start_2:
0xbb: {  	(tag) =	ssettag $0x2  }
0xbc: {  	s0 =	rddreg [dreg:$0x0];
	s2 =	stileid.u32  }
0xbd: {  	s1 =	rddreg [dreg:$0x1];
	p0 =	sne.s32 s2, $0x0  }
0xbe: {  	s3 =	rddreg [dreg:$0x2];
	[bflag:$0x3] =	sbarrier.arrive $0xFFFF;
	s2 =	simm.s32 @!p0 $0x1C01  }
0xbf: {  	[timem:s3], [sflag:s2] =	dma.local @!p0 [hbm:s0], s1  }
0xc0: {  	s0 =	simm.s32 @!p0 $0x1  }
0xc1: {  	_ =	swait.ge @!p0 [sflag:s0], s1  }
0xc2: {  	s1 =	ssub.s32 @!p0 $0x0, s1;
	[sflag:s0] =	ssyncset.done @!p0 $0x0  }
0xc3: {  	[sflag:s0] =	ssyncadd.s32 @!p0 s1  }
0xc4: {  	[bflag:$0x3] =	sbarrier.arrive $0xFFFF  }
0xc5: {  	_ =	shalt  }

</sc_bundles>
